<compile_context>
chip_gen: v7x
topology: tpu7x:2x2x1
jax: 0.10.2.dev20260603
libtpu: 0.0.44.dev20260713+nightly
codegen_flags: <defaults>
</compile_context>

<pallas_src>
import functools

import jax
import jax.numpy as jnp
from jax import lax
from jax.experimental import pallas as pl
from jax.experimental.pallas import tpu as pltpu
from jax.experimental.pallas import tpu_sc as plsc


def _sc_gather(table_rows, idx_flat):
    n = idx_flat.shape[0]
    e = table_rows.shape[1]
    info = plsc.get_sparse_core_info()
    nc, ns = info.num_cores, info.num_subcores
    nw = nc * ns
    per_w = n // nw
    nch = 1
    while per_w % nch or (per_w // nch) * e * 4 > 420_000:
        nch *= 2
    chunk = per_w // nch
    assert n % (8 * nw) == 0 and chunk % 8 == 0

    mesh = plsc.VectorSubcoreMesh(core_axis_name="c", subcore_axis_name="s")

    @functools.partial(
        pl.kernel,
        mesh=mesh,
        out_type=jax.ShapeDtypeStruct((n, e), jnp.float32),
        scratch_types=[
            pltpu.VMEM((per_w,), jnp.int32),
            pltpu.VMEM((chunk, e), jnp.float32),
            pltpu.SemaphoreType.DMA,
        ],
    )
    def gather_kernel(table_hbm, idx_hbm, out_hbm, idx_v, rows_v, sem):
        wid = lax.axis_index("s") * nc + lax.axis_index("c")
        base = wid * per_w
        pltpu.sync_copy(idx_hbm.at[pl.ds(base, per_w)], idx_v)
        for c in range(nch):
            pltpu.async_copy(
                table_hbm.at[idx_v.at[pl.ds(c * chunk, chunk)]], rows_v, sem
            ).wait()
            pltpu.sync_copy(rows_v, out_hbm.at[pl.ds(base + c * chunk, chunk)])

    return gather_kernel(table_rows, idx_flat)


def _rnn_body(tc, emb_ref, w1e_ref, w1h_ref, b1_ref, out_ref, h_ref):
    k = pl.program_id(0)
    bsz, hid = h_ref.shape

    @pl.when(k == 0)
    def _init():
        h_ref[...] = jnp.zeros((bsz, hid), jnp.float32)

    w1e = w1e_ref[...]
    w1h = w1h_ref[...]
    b1 = b1_ref[...]
    h = h_ref[...]
    for j in range(tc):
        h = jnp.tanh(emb_ref[j] @ w1e + h @ w1h + b1)
        out_ref[j] = h
    h_ref[...] = h


def _rnn(emb_tb, w1e_pad, w1h, b1_row, tc):
    t_steps, bsz, ep = emb_tb.shape
    hid = w1h.shape[0]
    return pl.pallas_call(
        functools.partial(_rnn_body, tc),
        grid=(t_steps // tc,),
        in_specs=[
            pl.BlockSpec((tc, bsz, ep), lambda k: (k, 0, 0)),
            pl.BlockSpec((ep, hid), lambda k: (0, 0)),
            pl.BlockSpec((hid, hid), lambda k: (0, 0)),
            pl.BlockSpec((1, hid), lambda k: (0, 0)),
        ],
        out_specs=pl.BlockSpec((tc, bsz, hid), lambda k: (k, 0, 0)),
        out_shape=jax.ShapeDtypeStruct((t_steps, bsz, hid), jnp.float32),
        scratch_shapes=[pltpu.VMEM((bsz, hid), jnp.float32)],
    )(emb_tb, w1e_pad, w1h, b1_row)


def _proj_body(tc, h_ref, w2t_ref, b2c_ref, tgt_ref, out_ref, part_ref):
    w2t = w2t_ref[...]
    b2c = b2c_ref[...]
    for j in range(tc):
        ht = h_ref[j]
        y = lax.dot_general(w2t, ht,
                            (((1,), (1,)), ((), ())),
                            preferred_element_type=jnp.float32)
        y = y + b2c
        out_ref[j] = y
        s = jnp.sum(jnp.exp(y), axis=0)
        lse = jnp.log(s)
        tgt = tgt_ref[j, 0, :]
        row = lax.broadcasted_iota(jnp.int32, y.shape, 0)
        pick = jnp.sum(jnp.where(row == tgt[None, :], y, 0.0), axis=0)
        p = jnp.sum(lse - pick)
        part_ref[j] = jnp.full((1, 128), p / 128.0, jnp.float32)


def _proj(h_tb, w2t, b2col, tgt_tb3, tc):
    t_steps, bsz, hid = h_tb.shape
    v = w2t.shape[0]
    return pl.pallas_call(
        functools.partial(_proj_body, tc),
        grid=(t_steps // tc,),
        in_specs=[
            pl.BlockSpec((tc, bsz, hid), lambda k: (k, 0, 0)),
            pl.BlockSpec((v, hid), lambda k: (0, 0)),
            pl.BlockSpec((v, 1), lambda k: (0, 0)),
            pl.BlockSpec((tc, 1, bsz), lambda k: (k, 0, 0)),
        ],
        out_specs=[
            pl.BlockSpec((tc, v, bsz), lambda k: (k, 0, 0)),
            pl.BlockSpec((tc, 1, 128), lambda k: (k, 0, 0)),
        ],
        out_shape=[
            jax.ShapeDtypeStruct((t_steps, v, bsz), jnp.float32),
            jax.ShapeDtypeStruct((t_steps, 1, 128), jnp.float32),
        ],
    )(h_tb, w2t, b2col, tgt_tb3)


def kernel(idx, targets, table, W1, b1, W2, b2):
    bsz, t_steps = idx.shape
    v, e = table.shape
    hid = W1.shape[1]
    n = bsz * t_steps

    idx_tb = idx.T.reshape(n).astype(jnp.int32)
    ep = 128
    table128 = jnp.pad(table, ((0, 0), (0, ep - e)))
    emb_flat = _sc_gather(table128, idx_tb)
    emb_tb = emb_flat.reshape(t_steps, bsz, ep)

    w1e_pad = jnp.pad(W1[:e], ((0, ep - e), (0, 0)))
    h_tb = _rnn(emb_tb, w1e_pad, W1[e:], b1.reshape(1, hid), tc=5)

    tgt_tb3 = targets.T.reshape(t_steps, 1, bsz).astype(jnp.int32)
    logits_tvb, partials = _proj(h_tb, W2.T, b2.reshape(v, 1), tgt_tb3, tc=2)
    logits = jnp.transpose(logits_tvb, (2, 0, 1))
    loss = jnp.sum(partials) / n
    return logits, loss

# --- scband reference (transcript-rebuilt; emitter-appended) ---
"""Pipeline reference for scband-rnnmodel-56221121904832 (READ-ONLY COPY).

The authoritative reference and input builder live on the scoring server;
editing this copy changes nothing except your own understanding.
"""

import jax, jax.numpy as jnp
import numpy as np

VOCAB = 1000
N_EMBED = 64
HIDDEN = 128
B = 1024
T = 50

def setup_inputs(seed: int = 0) -> dict:
    key = jax.random.key(seed)
    k1, k2, k3, k4, k5, k6, k7 = jax.random.split(key, 7)
    idx = jax.random.randint(k1, (B, T), 0, VOCAB, dtype=jnp.int64 if jax.config.jax_enable_x64 else jnp.int32)
    targets = jax.random.randint(k2, (B, T), 0, VOCAB, dtype=jnp.int64 if jax.config.jax_enable_x64 else jnp.int32)
    table = jax.random.normal(k3, (VOCAB, N_EMBED), dtype=jnp.float32)
    fan_in1 = N_EMBED + HIDDEN
    W1 = jax.random.uniform(k4, (fan_in1, HIDDEN), dtype=jnp.float32, minval=-1.0, maxval=1.0) / np.sqrt(fan_in1)
    b1 = jax.random.uniform(k5, (HIDDEN,), dtype=jnp.float32, minval=-1.0, maxval=1.0) / np.sqrt(fan_in1)
    W2 = jax.random.uniform(k6, (HIDDEN, VOCAB), dtype=jnp.float32, minval=-1.0, maxval=1.0) / np.sqrt(HIDDEN)
    b2 = jax.random.uniform(k7, (VOCAB,), dtype=jnp.float32, minval=-1.0, maxval=1.0) / np.sqrt(HIDDEN)
    return {"idx": idx, "targets": targets, "table": table, "W1": W1, "b1": b1, "W2": W2, "b2": b2}

def reference(idx, targets, table, W1, b1, W2, b2):
    # Embedding lookup (SparseCore gather)
    emb = jnp.take(table, idx, axis=0)  # [B, T, E]
    Bs, Ts = idx.shape
    H = W1.shape[1]

    def step(h, e_t):
        inp = jnp.concatenate([e_t, h], axis=-1)          # [B, E+H]
        h_new = jnp.tanh(inp @ W1 + b1)                   # [B, H]
        logit = h_new @ W2 + b2                           # [B, V]
        return h_new, logit

    h0 = jnp.zeros((Bs, H), dtype=jnp.result_type(table, W1, b1))
    emb_t = jnp.transpose(emb, (1, 0, 2))                 # [T, B, E]
    _, logits_t = jax.lax.scan(step, h0, emb_t)           # [T, B, V]
    logits = jnp.transpose(logits_t, (1, 0, 2))           # [B, T, V]

    # Cross-entropy loss over flattened (B*T, V)
    logp = jax.nn.log_softmax(logits, axis=-1)
    nll = -jnp.take_along_axis(logp, targets[..., None], axis=-1)[..., 0]
    loss = jnp.mean(nll)
    return logits, loss

if __name__ == "__main__":
    import jax
    _d = setup_inputs()
    print(jax.jit(kernel)(*tuple(_d.values())))

</pallas_src>

<mosaic_0001>
#map = affine_map<(d0, d1) -> (0, 0)>
#map1 = affine_map<(d0, d1) -> (0)>
module attributes {stable_mosaic.version = 14 : i64} {
  func.func @gather_kernel(%arg0: i32, %arg1: i32, %arg2: memref<1000x128xf32, #tpu.memory_space<hbm>>, %arg3: memref<51200xi32, #tpu.memory_space<hbm>>, %arg4: memref<51200x128xf32, #tpu.memory_space<hbm>>, %arg5: memref<1600xi32, #tpu.memory_space<vmem>>, %arg6: memref<800x128xf32, #tpu.memory_space<vmem>>, %arg7: memref<!tpu.dma_semaphore, #tpu.memory_space<semaphore_mem>>) attributes {dimension_semantics = [#tpu.dimension_semantics<core_parallel>, #tpu.dimension_semantics<subcore_parallel>], iteration_bounds = array<i64: 2, 16>, scalar_prefetch = 0 : i64, scratch_operands = 3 : i64, tpu.core_type = #tpu.core_type<sc_vector_subcore>, window_params = [{transform_indices = #map}, {transform_indices = #map1}, {transform_indices = #map}]} {
    %mul3A = arith.constant 2 : i32
    %mul3A_0 = arith.muli %arg1, %mul3A : i32
    %add3A = arith.addi %mul3A_0, %arg0 : i32
    %mul3A_1 = arith.constant 1600 : i32
    %mul3A_2 = arith.muli %add3A, %mul3A_1 : i32
    "tpu.region"() ({
      %run_scoped3A = tpu.sem_alloc : memref<!tpu.dma_semaphore, #tpu.memory_space<semaphore_mem>>
      %dma_start3A_25 = tpu.memref_slice %arg3[%mul3A_2] : memref<51200xi32, #tpu.memory_space<hbm>> -> memref<1600xi32, #tpu.memory_space<hbm>>
      %dma_start3A_26 = tpu.memref_slice %arg3[%mul3A_2] : memref<51200xi32, #tpu.memory_space<hbm>> -> memref<1600xi32, #tpu.memory_space<hbm>>
      tpu.enqueue_dma source(%dma_start3A_26 : memref<1600xi32, #tpu.memory_space<hbm>>) target(%arg5 : memref<1600xi32, #tpu.memory_space<vmem>>) target_semaphore(%run_scoped3A : memref<!tpu.dma_semaphore, #tpu.memory_space<semaphore_mem>>)
      %dma_wait3A_27 = tpu.memref_slice %arg3[%mul3A_2] : memref<51200xi32, #tpu.memory_space<hbm>> -> memref<1600xi32, #tpu.memory_space<hbm>>
      %dma_wait3A_28 = tpu.memref_slice %arg3[%mul3A_2] : memref<51200xi32, #tpu.memory_space<hbm>> -> memref<1600xi32, #tpu.memory_space<hbm>>
      tpu.wait_dma2 semaphore(%run_scoped3A : memref<!tpu.dma_semaphore, #tpu.memory_space<semaphore_mem>>) src(%dma_wait3A_28 : memref<1600xi32, #tpu.memory_space<hbm>>) dst(%arg5 : memref<1600xi32, #tpu.memory_space<vmem>>)
      tpu.yield
    }) : () -> ()
    %dma_start3A = arith.constant 0 : i32
    %dma_start3A_3 = tpu.memref_slice %arg5[%dma_start3A] : memref<1600xi32, #tpu.memory_space<vmem>> -> memref<800xi32, #tpu.memory_space<vmem>>
    %dma_start3A_4 = arith.constant 0 : i32
    %dma_start3A_5 = arith.constant 0 : i32
    %dma_start3A_6 = tpu.memref_slice %arg2[%dma_start3A_4, %dma_start3A_5] : memref<1000x128xf32, #tpu.memory_space<hbm>> -> memref<1000x128xf32, #tpu.memory_space<hbm>>
    tpu.enqueue_indirect_dma source(%dma_start3A_6 : memref<1000x128xf32, #tpu.memory_space<hbm>>) target(%arg6 : memref<800x128xf32, #tpu.memory_space<vmem>>) offsets(%dma_start3A_3 : memref<800xi32, #tpu.memory_space<vmem>>) semaphore(%arg7 : memref<!tpu.dma_semaphore, #tpu.memory_space<semaphore_mem>>)
    %dma_wait3A = arith.constant 0 : i32
    %dma_wait3A_7 = tpu.memref_slice %arg5[%dma_wait3A] : memref<1600xi32, #tpu.memory_space<vmem>> -> memref<800xi32, #tpu.memory_space<vmem>>
    %dma_wait3A_8 = arith.constant 0 : i32
    %dma_wait3A_9 = arith.constant 0 : i32
    %dma_wait3A_10 = tpu.memref_slice %arg2[%dma_wait3A_8, %dma_wait3A_9] : memref<1000x128xf32, #tpu.memory_space<hbm>> -> memref<1000x128xf32, #tpu.memory_space<hbm>>
    tpu.wait_indirect_dma semaphore(%arg7 : memref<!tpu.dma_semaphore, #tpu.memory_space<semaphore_mem>>) src(%dma_wait3A_10 : memref<1000x128xf32, #tpu.memory_space<hbm>>) dst(%arg6 : memref<800x128xf32, #tpu.memory_space<vmem>>)
    %add3A_11 = arith.constant 0 : i32
    %add3A_12 = arith.addi %mul3A_2, %add3A_11 : i32
    "tpu.region"() ({
      %run_scoped3A = tpu.sem_alloc : memref<!tpu.dma_semaphore, #tpu.memory_space<semaphore_mem>>
      %dma_start3A_25 = arith.constant 0 : i32
      %dma_start3A_26 = tpu.memref_slice %arg4[%add3A_12, %dma_start3A_25] : memref<51200x128xf32, #tpu.memory_space<hbm>> -> memref<800x128xf32, #tpu.memory_space<hbm>>
      %dma_start3A_27 = arith.constant 0 : i32
      %dma_start3A_28 = tpu.memref_slice %arg4[%add3A_12, %dma_start3A_27] : memref<51200x128xf32, #tpu.memory_space<hbm>> -> memref<800x128xf32, #tpu.memory_space<hbm>>
      tpu.enqueue_dma source(%arg6 : memref<800x128xf32, #tpu.memory_space<vmem>>) target(%dma_start3A_28 : memref<800x128xf32, #tpu.memory_space<hbm>>) target_semaphore(%run_scoped3A : memref<!tpu.dma_semaphore, #tpu.memory_space<semaphore_mem>>)
      %dma_wait3A_29 = arith.constant 0 : i32
      %dma_wait3A_30 = tpu.memref_slice %arg4[%add3A_12, %dma_wait3A_29] : memref<51200x128xf32, #tpu.memory_space<hbm>> -> memref<800x128xf32, #tpu.memory_space<hbm>>
      %dma_wait3A_31 = arith.constant 0 : i32
      %dma_wait3A_32 = tpu.memref_slice %arg4[%add3A_12, %dma_wait3A_31] : memref<51200x128xf32, #tpu.memory_space<hbm>> -> memref<800x128xf32, #tpu.memory_space<hbm>>
      tpu.wait_dma2 semaphore(%run_scoped3A : memref<!tpu.dma_semaphore, #tpu.memory_space<semaphore_mem>>) src(%arg6 : memref<800x128xf32, #tpu.memory_space<vmem>>) dst(%dma_wait3A_32 : memref<800x128xf32, #tpu.memory_space<hbm>>)
      tpu.yield
    }) : () -> ()
    %dma_start3A_13 = arith.constant 800 : i32
    %dma_start3A_14 = tpu.memref_slice %arg5[%dma_start3A_13] : memref<1600xi32, #tpu.memory_space<vmem>> -> memref<800xi32, #tpu.memory_space<vmem>>
    %dma_start3A_15 = arith.constant 0 : i32
    %dma_start3A_16 = arith.constant 0 : i32
    %dma_start3A_17 = tpu.memref_slice %arg2[%dma_start3A_15, %dma_start3A_16] : memref<1000x128xf32, #tpu.memory_space<hbm>> -> memref<1000x128xf32, #tpu.memory_space<hbm>>
    tpu.enqueue_indirect_dma source(%dma_start3A_17 : memref<1000x128xf32, #tpu.memory_space<hbm>>) target(%arg6 : memref<800x128xf32, #tpu.memory_space<vmem>>) offsets(%dma_start3A_14 : memref<800xi32, #tpu.memory_space<vmem>>) semaphore(%arg7 : memref<!tpu.dma_semaphore, #tpu.memory_space<semaphore_mem>>)
    %dma_wait3A_18 = arith.constant 800 : i32
    %dma_wait3A_19 = tpu.memref_slice %arg5[%dma_wait3A_18] : memref<1600xi32, #tpu.memory_space<vmem>> -> memref<800xi32, #tpu.memory_space<vmem>>
    %dma_wait3A_20 = arith.constant 0 : i32
    %dma_wait3A_21 = arith.constant 0 : i32
    %dma_wait3A_22 = tpu.memref_slice %arg2[%dma_wait3A_20, %dma_wait3A_21] : memref<1000x128xf32, #tpu.memory_space<hbm>> -> memref<1000x128xf32, #tpu.memory_space<hbm>>
    tpu.wait_indirect_dma semaphore(%arg7 : memref<!tpu.dma_semaphore, #tpu.memory_space<semaphore_mem>>) src(%dma_wait3A_22 : memref<1000x128xf32, #tpu.memory_space<hbm>>) dst(%arg6 : memref<800x128xf32, #tpu.memory_space<vmem>>)
    %add3A_23 = arith.constant 800 : i32
    %add3A_24 = arith.addi %mul3A_2, %add3A_23 : i32
    "tpu.region"() ({
      %run_scoped3A = tpu.sem_alloc : memref<!tpu.dma_semaphore, #tpu.memory_space<semaphore_mem>>
      %dma_start3A_25 = arith.constant 0 : i32
      %dma_start3A_26 = tpu.memref_slice %arg4[%add3A_24, %dma_start3A_25] : memref<51200x128xf32, #tpu.memory_space<hbm>> -> memref<800x128xf32, #tpu.memory_space<hbm>>
      %dma_start3A_27 = arith.constant 0 : i32
      %dma_start3A_28 = tpu.memref_slice %arg4[%add3A_24, %dma_start3A_27] : memref<51200x128xf32, #tpu.memory_space<hbm>> -> memref<800x128xf32, #tpu.memory_space<hbm>>
      tpu.enqueue_dma source(%arg6 : memref<800x128xf32, #tpu.memory_space<vmem>>) target(%dma_start3A_28 : memref<800x128xf32, #tpu.memory_space<hbm>>) target_semaphore(%run_scoped3A : memref<!tpu.dma_semaphore, #tpu.memory_space<semaphore_mem>>)
      %dma_wait3A_29 = arith.constant 0 : i32
      %dma_wait3A_30 = tpu.memref_slice %arg4[%add3A_24, %dma_wait3A_29] : memref<51200x128xf32, #tpu.memory_space<hbm>> -> memref<800x128xf32, #tpu.memory_space<hbm>>
      %dma_wait3A_31 = arith.constant 0 : i32
      %dma_wait3A_32 = tpu.memref_slice %arg4[%add3A_24, %dma_wait3A_31] : memref<51200x128xf32, #tpu.memory_space<hbm>> -> memref<800x128xf32, #tpu.memory_space<hbm>>
      tpu.wait_dma2 semaphore(%run_scoped3A : memref<!tpu.dma_semaphore, #tpu.memory_space<semaphore_mem>>) src(%arg6 : memref<800x128xf32, #tpu.memory_space<vmem>>) dst(%dma_wait3A_32 : memref<800x128xf32, #tpu.memory_space<hbm>>)
      tpu.yield
    }) : () -> ()
    return
  }
}

module attributes {stable_mosaic.version = 14 : i64} {
  func.func @_rnn_body(%arg0: i32, %arg1: memref<5x1024x128xf32, #tpu.memory_space<vmem>>, %arg2: memref<128x128xf32, #tpu.memory_space<vmem>>, %arg3: memref<128x128xf32, #tpu.memory_space<vmem>>, %arg4: memref<1x128xf32, #tpu.memory_space<vmem>>, %arg5: memref<5x1024x128xf32, #tpu.memory_space<vmem>>, %arg6: memref<1024x128xf32, #tpu.memory_space<vmem>>) attributes {dimension_semantics = [#tpu.dimension_semantics<arbitrary>], iteration_bounds = array<i64: 10>, scalar_prefetch = 0 : i64, scratch_operands = 1 : i64, tpu.core_type = #tpu.core_type<tc>, window_params = [{transform_indices = @transform_0, window_bounds = array<i64: 5, 1024, 128>}, {pipeline_mode = #tpu.pipeline_mode<synchronous>, transform_indices = @transform_1, window_bounds = array<i64: 128, 128>}, {pipeline_mode = #tpu.pipeline_mode<synchronous>, transform_indices = @transform_2, window_bounds = array<i64: 128, 128>}, {pipeline_mode = #tpu.pipeline_mode<synchronous>, transform_indices = @transform_3, window_bounds = array<i64: 1, 128>}, {transform_indices = @transform_4, window_bounds = array<i64: 5, 1024, 128>}]} {
    %eq3A = arith.constant 0 : i32
    %eq3A_0 = arith.cmpi eq, %arg0, %eq3A : i32
    %convert_element_type3A = arith.extui %eq3A_0 : i1 to i32
    %cond3A = arith.constant 0 : i32
    %cond3A_1 = arith.cmpi ne, %convert_element_type3A, %cond3A : i32
    scf.if %cond3A_1 {
      %broadcast_in_dim3A = arith.constant 0.000000e+00 : f32
      %broadcast_in_dim3A_107 = vector.broadcast %broadcast_in_dim3A : f32 to vector<1024x128xf32>
      %swap3A_108 = arith.constant 0 : index
      %swap3A_109 = arith.constant 0 : index
      %swap3A_110 = vector.load %arg6[%swap3A_108, %swap3A_109] : memref<1024x128xf32, #tpu.memory_space<vmem>>, vector<1024x128xf32>
      tpu.vector_store %arg6[%swap3A_108, %swap3A_109], %broadcast_in_dim3A_107 {strides = array<i32>} : memref<1024x128xf32, #tpu.memory_space<vmem>>, vector<1024x128xf32>,
    } else {
    }
    %get3A = arith.constant 0 : index
    %get3A_2 = arith.constant 0 : index
    %get3A_3 = vector.load %arg2[%get3A, %get3A_2] : memref<128x128xf32, #tpu.memory_space<vmem>>, vector<128x128xf32>
    %get3A_4 = arith.constant 0 : index
    %get3A_5 = arith.constant 0 : index
    %get3A_6 = vector.load %arg3[%get3A_4, %get3A_5] : memref<128x128xf32, #tpu.memory_space<vmem>>, vector<128x128xf32>
    %get3A_7 = arith.constant 0 : index
    %get3A_8 = arith.constant 0 : index
    %get3A_9 = vector.load %arg4[%get3A_7, %get3A_8] : memref<1x128xf32, #tpu.memory_space<vmem>>, vector<1x128xf32>
    %get3A_10 = arith.constant 0 : index
    %get3A_11 = arith.constant 0 : index
    %get3A_12 = vector.load %arg6[%get3A_10, %get3A_11] : memref<1024x128xf32, #tpu.memory_space<vmem>>, vector<1024x128xf32>
    %get3A_13 = arith.constant 0 : index
    %get3A_14 = arith.constant 0 : index
    %get3A_15 = arith.constant 0 : index
    %get3A_16 = vector.load %arg1[%get3A_13, %get3A_14, %get3A_15] : memref<5x1024x128xf32, #tpu.memory_space<vmem>>, vector<1x1024x128xf32>
    %get3A_17 = vector.shape_cast %get3A_16 : vector<1x1024x128xf32> to vector<1024x128xf32>
    %dot_general3A = arith.constant dense<0.000000e+00> : vector<1024x128xf32>
    %dot_general3A_18 = tpu.matmul %get3A_17, %get3A_3, %dot_general3A {dimension_numbers = #tpu.dot_dimension_numbers<[1], [0], [0], [1], [0, 0, 1, 1], [], []>, transpose_lhs_hint = false} : vector<1024x128xf32>, vector<128x128xf32>, vector<1024x128xf32> -> vector<1024x128xf32>
    %dot_general3A_19 = arith.constant dense<0.000000e+00> : vector<1024x128xf32>
    %dot_general3A_20 = tpu.matmul %get3A_12, %get3A_6, %dot_general3A_19 {dimension_numbers = #tpu.dot_dimension_numbers<[1], [0], [0], [1], [0, 0, 1, 1], [], []>, transpose_lhs_hint = false} : vector<1024x128xf32>, vector<128x128xf32>, vector<1024x128xf32> -> vector<1024x128xf32>
    %add3A = arith.addf %dot_general3A_18, %dot_general3A_20 : vector<1024x128xf32>
    %add3A_21 = vector.broadcast %get3A_9 : vector<1x128xf32> to vector<1024x128xf32>
    %add3A_22 = arith.addf %add3A, %add3A_21 : vector<1024x128xf32>
    %tanh3A = math.tanh %add3A_22 : vector<1024x128xf32>
    %swap3A = arith.constant 0 : index
    %swap3A_23 = arith.constant 0 : index
    %swap3A_24 = arith.constant 0 : index
    %swap3A_25 = vector.load %arg5[%swap3A, %swap3A_23, %swap3A_24] : memref<5x1024x128xf32, #tpu.memory_space<vmem>>, vector<1x1024x128xf32>
    %swap3A_26 = vector.shape_cast %swap3A_25 : vector<1x1024x128xf32> to vector<1024x128xf32>
    %swap3A_27 = vector.shape_cast %tanh3A : vector<1024x128xf32> to vector<1x1024x128xf32>
    tpu.vector_store %arg5[%swap3A, %swap3A_23, %swap3A_24], %swap3A_27 {strides = array<i32>} : memref<5x1024x128xf32, #tpu.memory_space<vmem>>, vector<1x1024x128xf32>,
    %get3A_28 = arith.constant 1 : index
    %get3A_29 = arith.constant 0 : index
    %get3A_30 = arith.constant 0 : index
    %get3A_31 = vector.load %arg1[%get3A_28, %get3A_29, %get3A_30] : memref<5x1024x128xf32, #tpu.memory_space<vmem>>, vector<1x1024x128xf32>
    %get3A_32 = vector.shape_cast %get3A_31 : vector<1x1024x128xf32> to vector<1024x128xf32>
    %dot_general3A_33 = arith.constant dense<0.000000e+00> : vector<1024x128xf32>
    %dot_general3A_34 = tpu.matmul %get3A_32, %get3A_3, %dot_general3A_33 {dimension_numbers = #tpu.dot_dimension_numbers<[1], [0], [0], [1], [0, 0, 1, 1], [], []>, transpose_lhs_hint = false} : vector<1024x128xf32>, vector<128x128xf32>, vector<1024x128xf32> -> vector<1024x128xf32>
    %dot_general3A_35 = arith.constant dense<0.000000e+00> : vector<1024x128xf32>
    %dot_general3A_36 = tpu.matmul %tanh3A, %get3A_6, %dot_general3A_35 {dimension_numbers = #tpu.dot_dimension_numbers<[1], [0], [0], [1], [0, 0, 1, 1], [], []>, transpose_lhs_hint = false} : vector<1024x128xf32>, vector<128x128xf32>, vector<1024x128xf32> -> vector<1024x128xf32>
    %add3A_37 = arith.addf %dot_general3A_34, %dot_general3A_36 : vector<1024x128xf32>
    %add3A_38 = vector.broadcast %get3A_9 : vector<1x128xf32> to vector<1024x128xf32>
    %add3A_39 = arith.addf %add3A_37, %add3A_38 : vector<1024x128xf32>
    %tanh3A_40 = math.tanh %add3A_39 : vector<1024x128xf32>
    %swap3A_41 = arith.constant 1 : index
    %swap3A_42 = arith.constant 0 : index
    %swap3A_43 = arith.constant 0 : index
    %swap3A_44 = vector.load %arg5[%swap3A_41, %swap3A_42, %swap3A_43] : memref<5x1024x128xf32, #tpu.memory_space<vmem>>, vector<1x1024x128xf32>
    %swap3A_45 = vector.shape_cast %swap3A_44 : vector<1x1024x128xf32> to vector<1024x128xf32>
    %swap3A_46 = vector.shape_cast %tanh3A_40 : vector<1024x128xf32> to vector<1x1024x128xf32>
    tpu.vector_store %arg5[%swap3A_41, %swap3A_42, %swap3A_43], %swap3A_46 {strides = array<i32>} : memref<5x1024x128xf32, #tpu.memory_space<vmem>>, vector<1x1024x128xf32>,
    %get3A_47 = arith.constant 2 : index
    %get3A_48 = arith.constant 0 : index
    %get3A_49 = arith.constant 0 : index
    %get3A_50 = vector.load %arg1[%get3A_47, %get3A_48, %get3A_49] : memref<5x1024x128xf32, #tpu.memory_space<vmem>>, vector<1x1024x128xf32>
    %get3A_51 = vector.shape_cast %get3A_50 : vector<1x1024x128xf32> to vector<1024x128xf32>
    %dot_general3A_52 = arith.constant dense<0.000000e+00> : vector<1024x128xf32>
    %dot_general3A_53 = tpu.matmul %get3A_51, %get3A_3, %dot_general3A_52 {dimension_numbers = #tpu.dot_dimension_numbers<[1], [0], [0], [1], [0, 0, 1, 1], [], []>, transpose_lhs_hint = false} : vector<1024x128xf32>, vector<128x128xf32>, vector<1024x128xf32> -> vector<1024x128xf32>
    %dot_general3A_54 = arith.constant dense<0.000000e+00> : vector<1024x128xf32>
    %dot_general3A_55 = tpu.matmul %tanh3A_40, %get3A_6, %dot_general3A_54 {dimension_numbers = #tpu.dot_dimension_numbers<[1], [0], [0], [1], [0, 0, 1, 1], [], []>, transpose_lhs_hint = false} : vector<1024x128xf32>, vector<128x128xf32>, vector<1024x128xf32> -> vector<1024x128xf32>
    %add3A_56 = arith.addf %dot_general3A_53, %dot_general3A_55 : vector<1024x128xf32>
    %add3A_57 = vector.broadcast %get3A_9 : vector<1x128xf32> to vector<1024x128xf32>
    %add3A_58 = arith.addf %add3A_56, %add3A_57 : vector<1024x128xf32>
    %tanh3A_59 = math.tanh %add3A_58 : vector<1024x128xf32>
    %swap3A_60 = arith.constant 2 : index
    %swap3A_61 = arith.constant 0 : index
    %swap3A_62 = arith.constant 0 : index
    %swap3A_63 = vector.load %arg5[%swap3A_60, %swap3A_61, %swap3A_62] : memref<5x1024x128xf32, #tpu.memory_space<vmem>>, vector<1x1024x128xf32>
    %swap3A_64 = vector.shape_cast %swap3A_63 : vector<1x1024x128xf32> to vector<1024x128xf32>
    %swap3A_65 = vector.shape_cast %tanh3A_59 : vector<1024x128xf32> to vector<1x1024x128xf32>
    tpu.vector_store %arg5[%swap3A_60, %swap3A_61, %swap3A_62], %swap3A_65 {strides = array<i32>} : memref<5x1024x128xf32, #tpu.memory_space<vmem>>, vector<1x1024x128xf32>,
    %get3A_66 = arith.constant 3 : index
    %get3A_67 = arith.constant 0 : index
    %get3A_68 = arith.constant 0 : index
    %get3A_69 = vector.load %arg1[%get3A_66, %get3A_67, %get3A_68] : memref<5x1024x128xf32, #tpu.memory_space<vmem>>, vector<1x1024x128xf32>
    %get3A_70 = vector.shape_cast %get3A_69 : vector<1x1024x128xf32> to vector<1024x128xf32>
    %dot_general3A_71 = arith.constant dense<0.000000e+00> : vector<1024x128xf32>
    %dot_general3A_72 = tpu.matmul %get3A_70, %get3A_3, %dot_general3A_71 {dimension_numbers = #tpu.dot_dimension_numbers<[1], [0], [0], [1], [0, 0, 1, 1], [], []>, transpose_lhs_hint = false} : vector<1024x128xf32>, vector<128x128xf32>, vector<1024x128xf32> -> vector<1024x128xf32>
    %dot_general3A_73 = arith.constant dense<0.000000e+00> : vector<1024x128xf32>
    %dot_general3A_74 = tpu.matmul %tanh3A_59, %get3A_6, %dot_general3A_73 {dimension_numbers = #tpu.dot_dimension_numbers<[1], [0], [0], [1], [0, 0, 1, 1], [], []>, transpose_lhs_hint = false} : vector<1024x128xf32>, vector<128x128xf32>, vector<1024x128xf32> -> vector<1024x128xf32>
    %add3A_75 = arith.addf %dot_general3A_72, %dot_general3A_74 : vector<1024x128xf32>
    %add3A_76 = vector.broadcast %get3A_9 : vector<1x128xf32> to vector<1024x128xf32>
    %add3A_77 = arith.addf %add3A_75, %add3A_76 : vector<1024x128xf32>
    %tanh3A_78 = math.tanh %add3A_77 : vector<1024x128xf32>
    %swap3A_79 = arith.constant 3 : index
    %swap3A_80 = arith.constant 0 : index
    %swap3A_81 = arith.constant 0 : index
    %swap3A_82 = vector.load %arg5[%swap3A_79, %swap3A_80, %swap3A_81] : memref<5x1024x128xf32, #tpu.memory_space<vmem>>, vector<1x1024x128xf32>
    %swap3A_83 = vector.shape_cast %swap3A_82 : vector<1x1024x128xf32> to vector<1024x128xf32>
    %swap3A_84 = vector.shape_cast %tanh3A_78 : vector<1024x128xf32> to vector<1x1024x128xf32>
    tpu.vector_store %arg5[%swap3A_79, %swap3A_80, %swap3A_81], %swap3A_84 {strides = array<i32>} : memref<5x1024x128xf32, #tpu.memory_space<vmem>>, vector<1x1024x128xf32>,
    %get3A_85 = arith.constant 4 : index
    %get3A_86 = arith.constant 0 : index
    %get3A_87 = arith.constant 0 : index
    %get3A_88 = vector.load %arg1[%get3A_85, %get3A_86, %get3A_87] : memref<5x1024x128xf32, #tpu.memory_space<vmem>>, vector<1x1024x128xf32>
    %get3A_89 = vector.shape_cast %get3A_88 : vector<1x1024x128xf32> to vector<1024x128xf32>
    %dot_general3A_90 = arith.constant dense<0.000000e+00> : vector<1024x128xf32>
    %dot_general3A_91 = tpu.matmul %get3A_89, %get3A_3, %dot_general3A_90 {dimension_numbers = #tpu.dot_dimension_numbers<[1], [0], [0], [1], [0, 0, 1, 1], [], []>, transpose_lhs_hint = false} : vector<1024x128xf32>, vector<128x128xf32>, vector<1024x128xf32> -> vector<1024x128xf32>
    %dot_general3A_92 = arith.constant dense<0.000000e+00> : vector<1024x128xf32>
    %dot_general3A_93 = tpu.matmul %tanh3A_78, %get3A_6, %dot_general3A_92 {dimension_numbers = #tpu.dot_dimension_numbers<[1], [0], [0], [1], [0, 0, 1, 1], [], []>, transpose_lhs_hint = false} : vector<1024x128xf32>, vector<128x128xf32>, vector<1024x128xf32> -> vector<1024x128xf32>
    %add3A_94 = arith.addf %dot_general3A_91, %dot_general3A_93 : vector<1024x128xf32>
    %add3A_95 = vector.broadcast %get3A_9 : vector<1x128xf32> to vector<1024x128xf32>
    %add3A_96 = arith.addf %add3A_94, %add3A_95 : vector<1024x128xf32>
    %tanh3A_97 = math.tanh %add3A_96 : vector<1024x128xf32>
    %swap3A_98 = arith.constant 4 : index
    %swap3A_99 = arith.constant 0 : index
    %swap3A_100 = arith.constant 0 : index
    %swap3A_101 = vector.load %arg5[%swap3A_98, %swap3A_99, %swap3A_100] : memref<5x1024x128xf32, #tpu.memory_space<vmem>>, vector<1x1024x128xf32>
    %swap3A_102 = vector.shape_cast %swap3A_101 : vector<1x1024x128xf32> to vector<1024x128xf32>
    %swap3A_103 = vector.shape_cast %tanh3A_97 : vector<1024x128xf32> to vector<1x1024x128xf32>
    tpu.vector_store %arg5[%swap3A_98, %swap3A_99, %swap3A_100], %swap3A_103 {strides = array<i32>} : memref<5x1024x128xf32, #tpu.memory_space<vmem>>, vector<1x1024x128xf32>,
    %swap3A_104 = arith.constant 0 : index
    %swap3A_105 = arith.constant 0 : index
    %swap3A_106 = vector.load %arg6[%swap3A_104, %swap3A_105] : memref<1024x128xf32, #tpu.memory_space<vmem>>, vector<1024x128xf32>
    tpu.vector_store %arg6[%swap3A_104, %swap3A_105], %tanh3A_97 {strides = array<i32>} : memref<1024x128xf32, #tpu.memory_space<vmem>>, vector<1024x128xf32>,
    return
  }
  func.func @transform_0(%arg0: i32) -> (i32, i32, i32) {
    %c0_i32 = arith.constant 0 : i32
    %c0_i32_0 = arith.constant 0 : i32
    %c0_i32_1 = arith.constant 0 : i32
    return %arg0, %c0_i32, %c0_i32_0 : i32, i32, i32
  }
  func.func @transform_1(%arg0: i32) -> (i32, i32) {
    %c0_i32 = arith.constant 0 : i32
    %c0_i32_0 = arith.constant 0 : i32
    %c0_i32_1 = arith.constant 0 : i32
    return %c0_i32, %c0_i32_0 : i32, i32
  }
  func.func @transform_2(%arg0: i32) -> (i32, i32) {
    %c0_i32 = arith.constant 0 : i32
    %c0_i32_0 = arith.constant 0 : i32
    %c0_i32_1 = arith.constant 0 : i32
    return %c0_i32, %c0_i32_0 : i32, i32
  }
  func.func @transform_3(%arg0: i32) -> (i32, i32) {
    %c0_i32 = arith.constant 0 : i32
    %c0_i32_0 = arith.constant 0 : i32
    %c0_i32_1 = arith.constant 0 : i32
    return %c0_i32, %c0_i32_0 : i32, i32
  }
  func.func @transform_4(%arg0: i32) -> (i32, i32, i32) {
    %c0_i32 = arith.constant 0 : i32
    %c0_i32_0 = arith.constant 0 : i32
    %c0_i32_1 = arith.constant 0 : i32
    return %arg0, %c0_i32, %c0_i32_0 : i32, i32, i32
  }
}

module attributes {stable_mosaic.version = 14 : i64} {
  func.func @_proj_body(%arg0: i32, %arg1: memref<2x1024x128xf32, #tpu.memory_space<vmem>>, %arg2: memref<1000x128xf32, #tpu.memory_space<vmem>>, %arg3: memref<1000x1xf32, #tpu.memory_space<vmem>>, %arg4: memref<2x1x1024xi32, #tpu.memory_space<vmem>>, %arg5: memref<2x1000x1024xf32, #tpu.memory_space<vmem>>, %arg6: memref<2x1x128xf32, #tpu.memory_space<vmem>>) attributes {dimension_semantics = [#tpu.dimension_semantics<arbitrary>], iteration_bounds = array<i64: 25>, scalar_prefetch = 0 : i64, scratch_operands = 0 : i64, tpu.core_type = #tpu.core_type<tc>, window_params = [{transform_indices = @transform_0, window_bounds = array<i64: 2, 1024, 128>}, {pipeline_mode = #tpu.pipeline_mode<synchronous>, transform_indices = @transform_1, window_bounds = array<i64: 1000, 128>}, {pipeline_mode = #tpu.pipeline_mode<synchronous>, transform_indices = @transform_2, window_bounds = array<i64: 1000, 1>}, {transform_indices = @transform_3, window_bounds = array<i64: 2, 1, 1024>}, {transform_indices = @transform_4, window_bounds = array<i64: 2, 1000, 1024>}, {transform_indices = @transform_5, window_bounds = array<i64: 2, 1, 128>}]} {
    %get3A = arith.constant 0 : index
    %get3A_0 = arith.constant 0 : index
    %get3A_1 = vector.load %arg2[%get3A, %get3A_0] : memref<1000x128xf32, #tpu.memory_space<vmem>>, vector<1000x128xf32>
    %get3A_2 = arith.constant 0 : index
    %get3A_3 = arith.constant 0 : index
    %get3A_4 = vector.load %arg3[%get3A_2, %get3A_3] : memref<1000x1xf32, #tpu.memory_space<vmem>>, vector<1000x1xf32>
    %get3A_5 = arith.constant 0 : index
    %get3A_6 = arith.constant 0 : index
    %get3A_7 = arith.constant 0 : index
    %get3A_8 = vector.load %arg1[%get3A_5, %get3A_6, %get3A_7] : memref<2x1024x128xf32, #tpu.memory_space<vmem>>, vector<1x1024x128xf32>
    %get3A_9 = vector.shape_cast %get3A_8 : vector<1x1024x128xf32> to vector<1024x128xf32>
    %dot_general3A = arith.constant dense<0.000000e+00> : vector<1000x1024xf32>
    %dot_general3A_10 = tpu.matmul %get3A_1, %get3A_9, %dot_general3A {dimension_numbers = #tpu.dot_dimension_numbers<[1], [1], [0], [0], [0, 0, 1, 0], [], []>, transpose_lhs_hint = false} : vector<1000x128xf32>, vector<1024x128xf32>, vector<1000x1024xf32> -> vector<1000x1024xf32>
    %add3A = vector.broadcast %get3A_4 : vector<1000x1xf32> to vector<1000x1024xf32>
    %add3A_11 = arith.addf %dot_general3A_10, %add3A : vector<1000x1024xf32>
    %swap3A = arith.constant 0 : index
    %swap3A_12 = arith.constant 0 : index
    %swap3A_13 = arith.constant 0 : index
    %swap3A_14 = vector.load %arg5[%swap3A, %swap3A_12, %swap3A_13] : memref<2x1000x1024xf32, #tpu.memory_space<vmem>>, vector<1x1000x1024xf32>
    %swap3A_15 = vector.shape_cast %swap3A_14 : vector<1x1000x1024xf32> to vector<1000x1024xf32>
    %swap3A_16 = vector.shape_cast %add3A_11 : vector<1000x1024xf32> to vector<1x1000x1024xf32>
    tpu.vector_store %arg5[%swap3A, %swap3A_12, %swap3A_13], %swap3A_16 {strides = array<i32>} : memref<2x1000x1024xf32, #tpu.memory_space<vmem>>, vector<1x1000x1024xf32>,
    %exp3A = math.exp %add3A_11 : vector<1000x1024xf32>
    %reduce_sum3A = arith.constant dense<0.000000e+00> : vector<1024xf32>
    %reduce_sum3A_17 = vector.multi_reduction <add>, %exp3A, %reduce_sum3A [0] : vector<1000x1024xf32> to vector<1024xf32>
    %log3A = math.log %reduce_sum3A_17 : vector<1024xf32>
    %get3A_18 = arith.constant 0 : index
    %get3A_19 = arith.constant 0 : index
    %get3A_20 = arith.constant 0 : index
    %get3A_21 = vector.load %arg4[%get3A_18, %get3A_19, %get3A_20] : memref<2x1x1024xi32, #tpu.memory_space<vmem>>, vector<1x1x1024xi32>
    %get3A_22 = vector.shape_cast %get3A_21 : vector<1x1x1024xi32> to vector<1024xi32>
    %iota3A = tpu.iota {dimensions = array<i32: 0>} : vector<1000x1024xi32>
    %broadcast_in_dim3A = vector.shape_cast %get3A_22 : vector<1024xi32> to vector<1x1024xi32>
    %eq3A = vector.broadcast %broadcast_in_dim3A : vector<1x1024xi32> to vector<1000x1024xi32>
    %eq3A_23 = arith.cmpi eq, %iota3A, %eq3A : vector<1000x1024xi32>
    %jit3A = arith.constant 0.000000e+00 : f32
    %broadcast_in_dim3A_24 = vector.broadcast %jit3A : f32 to vector<1000x1024xf32>
    %select_n3A = arith.select %eq3A_23, %add3A_11, %broadcast_in_dim3A_24 : vector<1000x1024xi1>, vector<1000x1024xf32>
    %reduce_sum3A_25 = arith.constant dense<0.000000e+00> : vector<1024xf32>
    %reduce_sum3A_26 = vector.multi_reduction <add>, %select_n3A, %reduce_sum3A_25 [0] : vector<1000x1024xf32> to vector<1024xf32>
    %sub3A = arith.subf %log3A, %reduce_sum3A_26 : vector<1024xf32>
    %reduce_sum3A_27 = vector.shape_cast %sub3A : vector<1024xf32> to vector<1x1024xf32>
    %reduce_sum3A_28 = arith.constant dense<0.000000e+00> : vector<1xf32>
    %reduce_sum3A_29 = vector.multi_reduction <add>, %reduce_sum3A_27, %reduce_sum3A_28 [1] : vector<1x1024xf32> to vector<1xf32>
    %reduce_sum3A_30 = vector.shape_cast %reduce_sum3A_29 : vector<1xf32> to vector<1x1xf32>
    %reduce_sum3A_31 = vector.extract %reduce_sum3A_30[0, 0] : f32 from vector<1x1xf32>
    %div3A = arith.constant 1.280000e+02 : f32
    %div3A_32 = arith.divf %reduce_sum3A_31, %div3A : f32
    %broadcast_in_dim3A_33 = vector.broadcast %div3A_32 : f32 to vector<1x128xf32>
    %swap3A_34 = arith.constant 0 : index
    %swap3A_35 = arith.constant 0 : index
    %swap3A_36 = arith.constant 0 : index
    %swap3A_37 = vector.load %arg6[%swap3A_34, %swap3A_35, %swap3A_36] : memref<2x1x128xf32, #tpu.memory_space<vmem>>, vector<1x1x128xf32>
    %swap3A_38 = vector.shape_cast %swap3A_37 : vector<1x1x128xf32> to vector<1x128xf32>
    %swap3A_39 = vector.shape_cast %broadcast_in_dim3A_33 : vector<1x128xf32> to vector<1x1x128xf32>
    tpu.vector_store %arg6[%swap3A_34, %swap3A_35, %swap3A_36], %swap3A_39 {strides = array<i32>} : memref<2x1x128xf32, #tpu.memory_space<vmem>>, vector<1x1x128xf32>,
    %get3A_40 = arith.constant 1 : index
    %get3A_41 = arith.constant 0 : index
    %get3A_42 = arith.constant 0 : index
    %get3A_43 = vector.load %arg1[%get3A_40, %get3A_41, %get3A_42] : memref<2x1024x128xf32, #tpu.memory_space<vmem>>, vector<1x1024x128xf32>
    %get3A_44 = vector.shape_cast %get3A_43 : vector<1x1024x128xf32> to vector<1024x128xf32>
    %dot_general3A_45 = arith.constant dense<0.000000e+00> : vector<1000x1024xf32>
    %dot_general3A_46 = tpu.matmul %get3A_1, %get3A_44, %dot_general3A_45 {dimension_numbers = #tpu.dot_dimension_numbers<[1], [1], [0], [0], [0, 0, 1, 0], [], []>, transpose_lhs_hint = false} : vector<1000x128xf32>, vector<1024x128xf32>, vector<1000x1024xf32> -> vector<1000x1024xf32>
    %add3A_47 = vector.broadcast %get3A_4 : vector<1000x1xf32> to vector<1000x1024xf32>
    %add3A_48 = arith.addf %dot_general3A_46, %add3A_47 : vector<1000x1024xf32>
    %swap3A_49 = arith.constant 1 : index
    %swap3A_50 = arith.constant 0 : index
    %swap3A_51 = arith.constant 0 : index
    %swap3A_52 = vector.load %arg5[%swap3A_49, %swap3A_50, %swap3A_51] : memref<2x1000x1024xf32, #tpu.memory_space<vmem>>, vector<1x1000x1024xf32>
    %swap3A_53 = vector.shape_cast %swap3A_52 : vector<1x1000x1024xf32> to vector<1000x1024xf32>
    %swap3A_54 = vector.shape_cast %add3A_48 : vector<1000x1024xf32> to vector<1x1000x1024xf32>
    tpu.vector_store %arg5[%swap3A_49, %swap3A_50, %swap3A_51], %swap3A_54 {strides = array<i32>} : memref<2x1000x1024xf32, #tpu.memory_space<vmem>>, vector<1x1000x1024xf32>,
    %exp3A_55 = math.exp %add3A_48 : vector<1000x1024xf32>
    %reduce_sum3A_56 = arith.constant dense<0.000000e+00> : vector<1024xf32>
    %reduce_sum3A_57 = vector.multi_reduction <add>, %exp3A_55, %reduce_sum3A_56 [0] : vector<1000x1024xf32> to vector<1024xf32>
    %log3A_58 = math.log %reduce_sum3A_57 : vector<1024xf32>
    %get3A_59 = arith.constant 1 : index
    %get3A_60 = arith.constant 0 : index
    %get3A_61 = arith.constant 0 : index
    %get3A_62 = vector.load %arg4[%get3A_59, %get3A_60, %get3A_61] : memref<2x1x1024xi32, #tpu.memory_space<vmem>>, vector<1x1x1024xi32>
    %get3A_63 = vector.shape_cast %get3A_62 : vector<1x1x1024xi32> to vector<1024xi32>
    %iota3A_64 = tpu.iota {dimensions = array<i32: 0>} : vector<1000x1024xi32>
    %broadcast_in_dim3A_65 = vector.shape_cast %get3A_63 : vector<1024xi32> to vector<1x1024xi32>
    %eq3A_66 = vector.broadcast %broadcast_in_dim3A_65 : vector<1x1024xi32> to vector<1000x1024xi32>
    %eq3A_67 = arith.cmpi eq, %iota3A_64, %eq3A_66 : vector<1000x1024xi32>
    %jit3A_68 = arith.constant 0.000000e+00 : f32
    %broadcast_in_dim3A_69 = vector.broadcast %jit3A_68 : f32 to vector<1000x1024xf32>
    %select_n3A_70 = arith.select %eq3A_67, %add3A_48, %broadcast_in_dim3A_69 : vector<1000x1024xi1>, vector<1000x1024xf32>
    %reduce_sum3A_71 = arith.constant dense<0.000000e+00> : vector<1024xf32>
    %reduce_sum3A_72 = vector.multi_reduction <add>, %select_n3A_70, %reduce_sum3A_71 [0] : vector<1000x1024xf32> to vector<1024xf32>
    %sub3A_73 = arith.subf %log3A_58, %reduce_sum3A_72 : vector<1024xf32>
    %reduce_sum3A_74 = vector.shape_cast %sub3A_73 : vector<1024xf32> to vector<1x1024xf32>
    %reduce_sum3A_75 = arith.constant dense<0.000000e+00> : vector<1xf32>
    %reduce_sum3A_76 = vector.multi_reduction <add>, %reduce_sum3A_74, %reduce_sum3A_75 [1] : vector<1x1024xf32> to vector<1xf32>
    %reduce_sum3A_77 = vector.shape_cast %reduce_sum3A_76 : vector<1xf32> to vector<1x1xf32>
    %reduce_sum3A_78 = vector.extract %reduce_sum3A_77[0, 0] : f32 from vector<1x1xf32>
    %div3A_79 = arith.constant 1.280000e+02 : f32
    %div3A_80 = arith.divf %reduce_sum3A_78, %div3A_79 : f32
    %broadcast_in_dim3A_81 = vector.broadcast %div3A_80 : f32 to vector<1x128xf32>
    %swap3A_82 = arith.constant 1 : index
    %swap3A_83 = arith.constant 0 : index
    %swap3A_84 = arith.constant 0 : index
    %swap3A_85 = vector.load %arg6[%swap3A_82, %swap3A_83, %swap3A_84] : memref<2x1x128xf32, #tpu.memory_space<vmem>>, vector<1x1x128xf32>
    %swap3A_86 = vector.shape_cast %swap3A_85 : vector<1x1x128xf32> to vector<1x128xf32>
    %swap3A_87 = vector.shape_cast %broadcast_in_dim3A_81 : vector<1x128xf32> to vector<1x1x128xf32>
    tpu.vector_store %arg6[%swap3A_82, %swap3A_83, %swap3A_84], %swap3A_87 {strides = array<i32>} : memref<2x1x128xf32, #tpu.memory_space<vmem>>, vector<1x1x128xf32>,
    return
  }
  func.func @transform_0(%arg0: i32) -> (i32, i32, i32) {
    %c0_i32 = arith.constant 0 : i32
    %c0_i32_0 = arith.constant 0 : i32
    %c0_i32_1 = arith.constant 0 : i32
    return %arg0, %c0_i32, %c0_i32_0 : i32, i32, i32
  }
  func.func @transform_1(%arg0: i32) -> (i32, i32) {
    %c0_i32 = arith.constant 0 : i32
    %c0_i32_0 = arith.constant 0 : i32
    %c0_i32_1 = arith.constant 0 : i32
    return %c0_i32, %c0_i32_0 : i32, i32
  }
  func.func @transform_2(%arg0: i32) -> (i32, i32) {
    %c0_i32 = arith.constant 0 : i32
    %c0_i32_0 = arith.constant 0 : i32
    %c0_i32_1 = arith.constant 0 : i32
    return %c0_i32, %c0_i32_0 : i32, i32
  }
  func.func @transform_3(%arg0: i32) -> (i32, i32, i32) {
    %c0_i32 = arith.constant 0 : i32
    %c0_i32_0 = arith.constant 0 : i32
    %c0_i32_1 = arith.constant 0 : i32
    return %arg0, %c0_i32, %c0_i32_0 : i32, i32, i32
  }
  func.func @transform_4(%arg0: i32) -> (i32, i32, i32) {
    %c0_i32 = arith.constant 0 : i32
    %c0_i32_0 = arith.constant 0 : i32
    %c0_i32_1 = arith.constant 0 : i32
    return %arg0, %c0_i32, %c0_i32_0 : i32, i32, i32
  }
  func.func @transform_5(%arg0: i32) -> (i32, i32, i32) {
    %c0_i32 = arith.constant 0 : i32
    %c0_i32_0 = arith.constant 0 : i32
    %c0_i32_1 = arith.constant 0 : i32
    return %arg0, %c0_i32, %c0_i32_0 : i32, i32, i32
  }
}

</mosaic_0001>

<sc_bundles>
// kernel: kernel.5.cloned.1.call-start
scs
__scs_entry_jumppad:
0x0: {  	(pc) =	sbr.rel $0x88, $3  }
0x1: {  	(tag) =	ssettag $0x0;
	lr =	simm.s32 $0x1  }
0x2: {  	[smem:$0x3F9A] =	sst lr;
	_ =	strace $0xD0000000  }
0x3: {  	_ = 	snop  }
0x4: {  	_ = 	snop  }
0x5: {  	_ = 	snop  }
0x6: {  	_ = 	snop  }
0x7: {  	_ = 	snop  }
__scs_overlays_trampoline_lowered:
0x8: {  	[smem:$0x3FA9] =	sst s0  }
0x9: {  	[smem:$0x3FAA] =	sst s1  }
0xa: {  	[smem:$0x3FAB] =	sst s2  }
0xb: {  	[smem:$0x3FAC] =	sst s3  }
0xc: {  	[smem:$0x3FAD] =	sst s4  }
0xd: {  	[smem:$0x3FAE] =	sst s5  }
0xe: {  	[smem:$0x3FAF] =	sst s6  }
0xf: {  	[smem:$0x3FB0] =	sst s7  }
0x10: {  	[smem:$0x3FB1] =	sst s8  }
0x11: {  	[smem:$0x3FB2] =	sst s9;
	s0 =	simm.s32 @!p0 $0x0  }
0x12: {  	s1 =	sld [smem:$0x3F98];
	s0 =	simm.s32 @p0 $0x1  }
0x13: {  	[smem:$0x3FB3] =	sst s0;
	s0 =	simm.s32 @!p1 $0x0  }
0x14: {  	s2 =	sld [smem:$0x3F97];
	s0 =	simm.s32 @p1 $0x1  }
0x15: {  	[smem:$0x3FB4] =	sst s0;
	s0 =	simm.s32 @!p2 $0x0  }
0x16: {  	s3 =	sld [smem:$0x3FDB];
	s0 =	simm.s32 @p2 $0x1  }
0x17: {  	s4 =	simm.s32 $0x1BF5;
	[smem:$0x3FB6] =	sst s0  }
0x18: {  	s0 =	sld [smem:$0x3F99];
	_ =	swait.ge [sflag:s4], $0x0  }
0x19: {  	s7 =	sld [smem:$0x3F9A]  }
0x1a: {  	s8 =	sadd.s32 $0xFFFFE003, lr  }
0x1b: {  	s9 =	sadd.s32 $0xFFFFFEF7, lr;
	s5 =	simm.s32 $0xFFFFFFFF;
	p2 =	slt.u32 s8, $0xFFFFF086  }
0x1c: {  	p1 =	slt.u32 s9, $0xF7A;
	s5 =	simm.s32 @!p2 $0x0  }
0x1d: {  	s5 =	simm.s32 @p1 $0x1;
	p0 =	seq.s32 s7, s2  }
0x1e: {  	s7 =	smul.u32 @!p0 $0xF7A, s2;
	p2 =	seq.s32 @!p0 s5, $0x0  }
0x1f: {  	s9 =	smul.u32 $0xF7A, s1;
	s8 =	simm.s32 @!p0 $0x1BF5;
	p2 =	por !p2, p0  }
0x20: {  	[sflag:s8] =	ssyncset.s32 @!p0 $0xFFFFF086;
	s6 =	sadd.s32 @!p0 s3, s7;
	s7 =	simm.s32 @!p0 $0x108  }
0x21: {  	s3 =	sadd.s32 s3, s9;
	s6 =	sadd.s32 @!p0 $0x88, s6;
	s7 =	simm.s32 @p2 $0x1082  }
0x22: {  	[simem:s7], [sflag:s8] =	dma.local @!p0 [hbm:s6], $0xF7A  }
0x23: {  	s9 =	sor.u32 $0xD0000000, s2;
	s6 =	simm.s32 $0x108;
	_ =	swait.ge @!p0 [sflag:s8], $0x0  }
0x24: {  	s3 =	sadd.s32 $0x88, s3;
	s6 =	simm.s32 @!p1 $0x1082;
	[sflag:s4] =	ssyncset.s32 $0xFFFFF086  }
0x25: {  	[simem:s6], [sflag:s4] =	dma.local [hbm:s3], $0xF7A  }
0x26: {  	[smem:$0x3F9A] =	sst s1;
	(tag) =	ssettag s2;
	_ =	strace s9  }
0x27: {  	s1 =	sld [smem:$0x3FAA]  }
0x28: {  	s2 =	sld [smem:$0x3FAB]  }
0x29: {  	s4 =	sld [smem:$0x3FAD]  }
0x2a: {  	p0 =	seq.s32 s5, $0x0;
	s5 =	sld [smem:$0x3FAE]  }
0x2b: {  	s6 =	sld [smem:$0x3FAF]  }
0x2c: {  	s7 =	sld [smem:$0x3FB0]  }
0x2d: {  	s3 =	simm.s32 $0x108;
	s8 =	sld [smem:$0x3FB1]  }
0x2e: {  	s3 =	simm.s32 @!p0 $0x1082;
	s9 =	sld [smem:$0x3FB2]  }
0x2f: {  	lr =	sadd.s32 s0, s3;
	s0 =	sld [smem:$0x3FA9]  }
0x30: {  	s3 =	sld [smem:$0x3FAC]  }
0x31: {  	[smem:$0x3FB5] =	sst s10  }
0x32: {  	s10 =	sld [smem:$0x3FB3];
	_ =	sdelay $0x3  }
0x33: {  	p0 =	seq.s32 s10, $0x1;
	s10 =	sld [smem:$0x3FB5];
	_ =	sdelay $0x3  }
0x34: {  	[smem:$0x3FB5] =	sst s10  }
0x35: {  	s10 =	sld [smem:$0x3FB4];
	_ =	sdelay $0x3  }
0x36: {  	p1 =	seq.s32 s10, $0x1;
	s10 =	sld [smem:$0x3FB5];
	_ =	sdelay $0x3  }
0x37: {  	[smem:$0x3FB5] =	sst s10  }
0x38: {  	s10 =	sld [smem:$0x3FB6]  }
0x39: {  	_ = 	snop;
	(pc) =	sbr.ind lr, $3  }
0x3a: {  	_ = 	snop  }
0x3b: {  	_ = 	snop  }
0x3c: {  	p2 =	seq.s32 s10, $0x1;
	s10 =	sld [smem:$0x3FB5]  }
0x3d: {  	_ =	shalt  }
0x3e: {  	_ =	shalt  }
0x3f: {  	_ =	shalt  }
0x40: {  	_ =	shalt  }
0x41: {  	_ =	shalt  }
0x42: {  	_ =	shalt  }
0x43: {  	_ =	shalt  }
0x44: {  	_ =	shalt  }
0x45: {  	_ =	shalt  }
0x46: {  	_ =	shalt  }
0x47: {  	_ =	shalt  }
0x48: {  	_ =	shalt  }
0x49: {  	_ =	shalt  }
0x4a: {  	_ =	shalt  }
0x4b: {  	_ =	shalt  }
0x4c: {  	_ =	shalt  }
0x4d: {  	_ =	shalt  }
0x4e: {  	_ =	shalt  }
0x4f: {  	_ =	shalt  }
0x50: {  	_ =	shalt  }
0x51: {  	_ =	shalt  }
0x52: {  	_ =	shalt  }
0x53: {  	_ =	shalt  }
0x54: {  	_ =	shalt  }
0x55: {  	_ =	shalt  }
0x56: {  	_ =	shalt  }
0x57: {  	_ =	shalt  }
0x58: {  	_ =	shalt  }
0x59: {  	_ =	shalt  }
0x5a: {  	_ =	shalt  }
0x5b: {  	_ =	shalt  }
0x5c: {  	_ =	shalt  }
0x5d: {  	_ =	shalt  }
0x5e: {  	_ =	shalt  }
0x5f: {  	_ =	shalt  }
0x60: {  	_ =	shalt  }
0x61: {  	_ =	shalt  }
0x62: {  	_ =	shalt  }
0x63: {  	_ =	shalt  }
0x64: {  	_ =	shalt  }
0x65: {  	_ =	shalt  }
0x66: {  	_ =	shalt  }
0x67: {  	_ =	shalt  }
0x68: {  	_ =	shalt  }
0x69: {  	_ =	shalt  }
0x6a: {  	_ =	shalt  }
0x6b: {  	_ =	shalt  }
0x6c: {  	_ =	shalt  }
0x6d: {  	_ =	shalt  }
0x6e: {  	_ =	shalt  }
0x6f: {  	_ =	shalt  }
0x70: {  	_ =	shalt  }
0x71: {  	_ =	shalt  }
0x72: {  	_ =	shalt  }
0x73: {  	_ =	shalt  }
0x74: {  	_ =	shalt  }
0x75: {  	_ =	shalt  }
0x76: {  	_ =	shalt  }
0x77: {  	_ =	shalt  }
0x78: {  	_ =	shalt  }
0x79: {  	_ =	shalt  }
0x7a: {  	_ =	shalt  }
0x7b: {  	_ =	shalt  }
0x7c: {  	_ =	shalt  }
0x7d: {  	_ =	shalt  }
0x7e: {  	_ =	shalt  }
0x7f: {  	_ =	shalt  }
0x80: {  	_ =	shalt  }
0x81: {  	_ =	shalt  }
0x82: {  	_ =	shalt  }
0x83: {  	_ =	shalt  }
0x84: {  	_ =	shalt  }
0x85: {  	_ =	shalt  }
0x86: {  	_ =	shalt  }
0x87: {  	_ =	shalt  }
.Lfunc_end0:
.L_simem_size_0:
called_computation_lowered:
.L_overlay_start_0:
0x88: {  	s2 =	sld [smem:$0x3FD9]  }
0x89: {  	s3 =	sld [smem:$0x3FFE];
	_ =	sdelay $0x1  }
0x8a: {  	s1 =	srdreg.scid  }
0x8b: {  	s0 =	sand.u32 $0x1, s1  }
0x8c: {  	s14 =	sshll.u32 s0, $0xA;
	s2 =	sadd.s32 s3, s2  }
0x8d: {  	s2 =	sadd.s32 s2, s14  }
0x8e: {  	[smem:$0x3FC1] =	sst s2  }
0x8f: {  	_ = 	snop  }
0x90: {  	s2 =	sld [smem:$0x3FD0];
	_ =	sdelay $0x2  }
0x91: {  	s15 =	simm.s32 $0xA;
	s4 =	simm.s32 $0x10  }
0x92: {  	[smem:s4], [sflag:s15] =	dma.local [hbm:s2], $0x1  }
0x93: {  	_ =	swait.eq [sflag:s15], $0x1  }
0x94: {  	[sflag:s15] =	ssyncset.done $0x0  }
0x95: {  	[sflag:s15] =	ssyncadd.s32 $0xFFFFFFFF  }
0x96: {  	s16 =	sld [smem:$0x10];
	(tm) =	ssettm $0x1  }
0x97: {  	s17 =	sld [smem:$0x3FFB];
	_ =	sdelay $0x3  }
0x98: {  	_ =	strace s17  }
0x99: {  	s3 =	sld [smem:$0x3FFC];
	_ =	sdelay $0x3  }
0x9a: {  	_ =	strace s3  }
0x9b: {  	s3 =	sld [smem:$0x3FFD];
	_ =	sdelay $0x3  }
0x9c: {  	_ =	strace s3  }
0x9d: {  	_ =	strace $0x8FFFFFFF  }
0x9e: {  	s18 =	sld [smem:$0x3FDB];
	_ =	sdelay $0x1  }
0x9f: {  	s19 =	simm.s32 $_scs_section_size  }
0xa0: {  	s5 =	simm.s32 $_size__tile_overlayer_lowered;
	s6 =	simm.s32 $_tile_overlayer_lowered  }
0xa1: {  	s22 =	simm.s32 $0x1BFF;
	s21 =	sshll.u32 s6, $0x1;
	s3 =	sadd.s32 s19, s18  }
0xa2: {  	s7 =	simm.s32 $0x0;
	s20 =	sshll.u32 s5, $0x1;
	s5 =	sadd.s32 s21, s3  }
0xa3: {  	[timem:s7], [sflag:s22] =	dma.local [hbm:s5], s20  }
0xa4: {  	_ =	swait.ge [sflag:s22], s20  }
0xa5: {  	s4 =	ssub.s32 $0x0, s20;
	[sflag:s22] =	ssyncset.done $0x0  }
0xa6: {  	[sflag:s22] =	ssyncadd.s32 s4;
	_ =	sdelay $0x1  }
0xa7: {  	s23 =	simm.s32 $0x1B8B  }
0xa8: {  	_ =	swait.ge [sflag:s23], $0x1  }
0xa9: {  	[sflag:s23] =	ssyncset.done $0x0  }
0xaa: {  	s25 =	simm.s32 $0x1B8E;
	s24 =	sld [smem:$0x3FFE];
	[sflag:s23] =	ssyncadd.s32 $0xFFFFFFFF  }
0xab: {  	s26 =	simm.s32 $execute0_lowered;
	[smem:$0x3FD2] =	sst s25  }
0xac: {  	s5 =	sshll.u32 s26, $0x1;
	_ =	strace $0x80000046;
	[dreg:$0x1] =	wrdreg $0xFFFFFFFF  }
0xad: {  	s28 =	simm.s32 $_size_execute0_lowered;
	s3 =	sadd.s32 s3, s5;
	[dreg:$0x0] =	wrdreg $0x0  }
0xae: {  	s5 =	sshll.u32 s28, $0x1;
	[dreg:$0x2] =	wrdreg s3  }
0xaf: {  	[dreg:$0x3] =	wrdreg s5  }
0xb0: {  	[dreg:$0x4] =	wrdreg $0xC0  }
0xb1: {  	_ =	task [dreg:s7], $0x5FFFF  }
0xb2: {  	[dreg:$0x1] =	wrdreg $0xFFFFFFFF  }
0xb3: {  	[dreg:$0x0] =	wrdreg $0x60  }
0xb4: {  	[dreg:$0x2] =	wrdreg s24  }
0xb5: {  	[dreg:$0x3] =	wrdreg s16  }
0xb6: {  	[dreg:$0x4] =	wrdreg $0x9  }
0xb7: {  	_ =	task.clear_ibuf [dreg:s7], $0x5FFFF;
	_ =	strace $0x90000046  }
0xb8: {  	s29 =	simm.s32 $0x9;
	_ =	strace $0x80000048  }
0xb9: {  	_ =	swait.ge [sflag:s29], $0x1  }
0xba: {  	[sflag:s29] =	ssyncadd.s32 $0xFFFFFFFF  }
0xbb: {  	_ =	strace $0x90000048  }
0xbc: {  	_ =	sfence  }
0xbd: {  	s30 =	sld [smem:$0x0];
	_ =	sdelay $0x2  }
0xbe: {  	s31 =	sshll.u32 s1, $0xD;
	s1 =	sshrl.u32 s1, $0x2  }
0xbf: {  	s3 =	sand.u32 $0x4000, s31;
	s1 =	sadd.s32 s1, s30  }
0xc0: {  	s0 =	sor.u32 s3, s0;
	s1 =	sshll.u32 s1, $0x11  }
0xc1: {  	s0 =	sor.u32 s1, s0  }
0xc2: {  	s0 =	sadd.s32 $0x8F2B, s0  }
0xc3: {  	[sflag:s0] =	ssyncadd.remote.s32 $0x1  }
0xc4: {  	_ =	sfence.sel $0xFFFF  }
0xc5: {  	[dreg:$0x0] =	wrdreg $0xFFFFFFFF;
	(pc) =	sbr.abs _section_cstart, $3  }
0xc6: {  	[dreg:$0x1] =	wrdreg $0xFFFFFFFF  }
0xc7: {  	_ =	task.clear_ibuf [dreg:s7], $0x2FFFF;
	_ =	strace $0x9FFFFFFF  }
0xc8: {  	(tm) =	ssettm $0x7FFFFFFF  }
0xc9: {  	_ =	shalt  }
tec
execute0_lowered:
.L_overlay_start_1:
0x0: {  	(tag) =	ssettag $0x1  }
0x1: {  	s1 =	srdreg.scid;
	s0 =	stileid.u32  }
0x2: {  	s10 =	sand.u32 $0x1, s1;
	s29 =	sshll.u32 s0, $0x1  }
0x3: {  	s5 =	rddreg [dreg:$0x0];
	s11 =	sor.u32 s10, s29  }
0x4: {  	s12 =	rddreg [dreg:$0x1];
	s3 =	smul.u32 $0xC8, s11  }
0x5: {  	s2 =	simm.s32 $0x0;
	s1 =	rddreg [dreg:$0x2]  }
0x6: {  	[smem:$0x7FF] =	sst s2;
	s3 =	sadd.s32 s3, s5  }
0x7: {  	_ =	strace $0x80000047;
	s4 =	sadd.s32 $0x1000, s3;
	s3 =	simm.s32 $0x2  }
0x8: {  	[tilespmem:s2], [sflag:$0x2] =	stream.linear.gather [hbm4b:s4+s2], $0x640, $0x38;
	[tilespmem:$0x19680] =	vst v63  }
0x9: {  	_ =	swait.ge [sflag:s3], $0x640  }
0xa: {  	s6 =	simm.s32 $0x320;
	s7 =	simm.s32 $0x680;
	[sflag:s3] =	ssyncset.done $0x0  }
0xb: {  	s8 =	simm.s32 $0x1;
	s5 =	sadd.s32 $0x2A00, s5;
	[sflag:s3] =	ssyncadd.s32 $0xFFFFF9C0  }
0xc: {  	[tilespmem:s7], [sflag:$0x1] =	stream.indirect.gather [hbm4b:s5+s6], $0x80, s2, s6, $0xb8;
	[tilespmem:$0x19680] =	vst v63  }
0xd: {  	s9 =	smul.u32 $0x6400, s11;
	_ =	swait.ge [sflag:s8], $0x19000  }
0xe: {  	[sflag:s8] =	ssyncset.done $0x0  }
0xf: {  	s10 =	ssub.s32 $0x2, s10;
	s9 =	sadd.s32 s12, s9;
	[sflag:s8] =	ssyncadd.s32 $0xFFFE7000  }
0x10: {  	[hbm4b:s9+s2] =	stream.linear.scatter [tilespmem:s7], [sflag:$0x2], $0x19000, $0x38;
	[tilespmem:$0x19680] =	vst v63  }
0x11: {  	s13 =	sshrl.u32 s10, $0x1;
	_ =	swait.ge [sflag:s3], $0x19000  }
0x12: {  	s13 =	ssub.s32 s10, s13;
	[sflag:s3] =	ssyncset.done $0x0  }
0x13: {  	s11 =	smul.u32 $0x32000, s11;
	s31 =	smax.u32 s13, $0x1;
	[sflag:s3] =	ssyncadd.s32 $0xFFFE7000  }
0x14: {  	[tilespmem:s7], [sflag:$0x1] =	stream.indirect.gather [hbm4b:s5+s6], $0x80, s6, s6, $0xb8;
	[tilespmem:$0x19680] =	vst v63  }
0x15: {  	s11 =	sshrl.u32 s11, $0x3;
	p0 =	sne.s32 s31, $0x1;
	_ =	swait.ge [sflag:s8], $0x19000  }
.Ltmp0:
0x16: {  	s30 =	sadd.s32 s12, s11;
	[sflag:s8] =	ssyncset.done $0x0;
	(pc) =	sbr.rel @!p0 .LBB2_2-.Ltmp0, $4  }
0x17: {  	s10 =	sadd.s32 $0x3200, s30;
	[sflag:s8] =	ssyncadd.s32 $0xFFFE7000  }
0x18: {  	[hbm4b:s10+s2] =	stream.linear.scatter [tilespmem:s7], [sflag:$0x2], $0x19000, $0x38;
	[tilespmem:$0x19680] =	vst v63  }
0x19: {  	_ =	swait.ge [sflag:s3], $0x19000  }
0x1a: {  	s11 =	sadd.s32 $0xFFFFFFFF, s31;
	[sflag:s3] =	ssyncset.done $0x0  }
.LBB2_1:
0x1b: {  	p0 =	sne.s32 s11, $0x1;
	s11 =	sadd.s32 $0xFFFFFFFF, s11;
	[sflag:s3] =	ssyncadd.s32 $0xFFFE7000  }
0x1c: {  	[tilespmem:s2], [sflag:$0x2] =	stream.linear.gather [hbm4b:s4+s2], $0x640, $0x38;
	[tilespmem:$0x19680] =	vst v63  }
0x1d: {  	_ =	swait.ge [sflag:s3], $0x640  }
0x1e: {  	[sflag:s3] =	ssyncset.done $0x0  }
0x1f: {  	[sflag:s3] =	ssyncadd.s32 $0xFFFFF9C0  }
0x20: {  	[tilespmem:s7], [sflag:$0x1] =	stream.indirect.gather [hbm4b:s5+s6], $0x80, s2, s6, $0xb8;
	[tilespmem:$0x19680] =	vst v63  }
0x21: {  	_ =	swait.ge [sflag:s8], $0x19000  }
0x22: {  	[sflag:s8] =	ssyncset.done $0x0  }
0x23: {  	[sflag:s8] =	ssyncadd.s32 $0xFFFE7000  }
0x24: {  	[hbm4b:s9+s2] =	stream.linear.scatter [tilespmem:s7], [sflag:$0x2], $0x19000, $0x38;
	[tilespmem:$0x19680] =	vst v63  }
0x25: {  	_ =	swait.ge [sflag:s3], $0x19000  }
0x26: {  	[sflag:s3] =	ssyncset.done $0x0  }
0x27: {  	[sflag:s3] =	ssyncadd.s32 $0xFFFE7000  }
0x28: {  	[tilespmem:s7], [sflag:$0x1] =	stream.indirect.gather [hbm4b:s5+s6], $0x80, s6, s6, $0xb8;
	[tilespmem:$0x19680] =	vst v63  }
0x29: {  	_ =	swait.ge [sflag:s8], $0x19000  }
.Ltmp1:
0x2a: {  	[sflag:s8] =	ssyncset.done $0x0;
	(pc) =	sbr.rel @p0 .LBB2_1-.Ltmp1, $4  }
0x2b: {  	[sflag:s8] =	ssyncadd.s32 $0xFFFE7000  }
0x2c: {  	[hbm4b:s10+s2] =	stream.linear.scatter [tilespmem:s7], [sflag:$0x2], $0x19000, $0x38;
	[tilespmem:$0x19680] =	vst v63  }
0x2d: {  	_ =	swait.ge [sflag:s3], $0x19000  }
0x2e: {  	[sflag:s3] =	ssyncset.done $0x0  }
.LBB2_2:
0x2f: {  	[sflag:s3] =	ssyncadd.s32 $0xFFFE7000  }
0x30: {  	_ =	sfence.sel $0x180000  }
0x31: {  	[bflag:$0x0] =	sbarrier.arrive $0xFFFF  }
0x32: {  	p0 =	sne.s32 s0, $0x0;
	_ =	strace $0x90000047  }
0x33: {  	s0 =	sadd.s32 @!p0 $0x100000, s1;
	[bflag:$0x2] =	sbarrier.arrive $0xFFFF  }
0x34: {  	[sflag:s0] =	ssyncadd.tile.s32 @!p0 $0x1;
	_ =	shalt  }
.Lfunc_end2:
_tile_overlayer_lowered:
.L_overlay_start_2:
0x35: {  	(tag) =	ssettag $0x2  }
0x36: {  	s0 =	rddreg [dreg:$0x0];
	s2 =	stileid.u32  }
0x37: {  	s1 =	rddreg [dreg:$0x1];
	p0 =	sne.s32 s2, $0x0  }
0x38: {  	s3 =	rddreg [dreg:$0x2];
	[bflag:$0x3] =	sbarrier.arrive $0xFFFF;
	s2 =	simm.s32 @!p0 $0x1C02  }
0x39: {  	[timem:s3], [sflag:s2] =	dma.local @!p0 [hbm:s0], s1  }
0x3a: {  	s0 =	simm.s32 @!p0 $0x2  }
0x3b: {  	_ =	swait.ge @!p0 [sflag:s0], s1  }
0x3c: {  	s1 =	ssub.s32 @!p0 $0x0, s1;
	[sflag:s0] =	ssyncset.done @!p0 $0x0  }
0x3d: {  	[sflag:s0] =	ssyncadd.s32 @!p0 s1  }
0x3e: {  	[bflag:$0x3] =	sbarrier.arrive $0xFFFF  }
0x3f: {  	_ =	shalt  }

</sc_bundles>
